<compile_context>
chip_gen: v7x
topology: tpu7x:2x2x1
jax: 0.10.2.dev20260603
libtpu: 0.0.44.dev20260713+nightly
codegen_flags: <defaults>
</compile_context>

<pallas_src>
import functools

import jax
import jax.numpy as jnp
from jax import lax
from jax.experimental import pallas as pl
from jax.experimental.pallas import tpu as pltpu
from jax.experimental.pallas import tpu_sc as plsc

_BATCH = 16384
_D = 32
_NW = 32
_BPW = _BATCH // _NW
_NBLK = _BPW // 16
_CHUNK = 32768


def _sweep_body(w_ref, tabT_ref, s_ref):
    s_ref[...] = jnp.sum(tabT_ref[...] * w_ref[...], axis=0)


def _sweep(tabT, w2, n):
    grid = (n + _CHUNK - 1) // _CHUNK
    return pl.pallas_call(
        _sweep_body,
        grid=(grid,),
        in_specs=[
            pl.BlockSpec((_D, 1), lambda i: (0, 0)),
            pl.BlockSpec((_D, _CHUNK), lambda i: (0, i)),
        ],
        out_specs=pl.BlockSpec((_CHUNK,), lambda i: (i,)),
        out_shape=jax.ShapeDtypeStruct((n,), jnp.float32),
    )(w2, tabT)


def _sc_body(users_hbm, product_hbm, su_hbm, sp_hbm, bias_hbm, out_hbm,
             uidx_v, pidx_v, urow_v, prow_v, ug_v, pg_v, bias_v, out_v,
             sem_u, sem_p):
    c = lax.axis_index("c")
    s = lax.axis_index("s")
    wid = s * 2 + c
    base = wid * _BPW

    pltpu.sync_copy(users_hbm.at[pl.ds(base, _BPW)], uidx_v)
    pltpu.sync_copy(product_hbm.at[pl.ds(base, _BPW)], pidx_v)
    pltpu.sync_copy(bias_hbm, bias_v)
    bias = bias_v[...]

    def prep(i, carry):
        uv = uidx_v[pl.ds(i * 16, 16)]
        pv = pidx_v[pl.ds(i * 16, 16)]
        urow_v[pl.ds(i * 16, 16)] = lax.shift_right_logical(uv, 4)
        prow_v[pl.ds(i * 16, 16)] = lax.shift_right_logical(pv, 4)
        return carry

    lax.fori_loop(0, _NBLK, prep, 0)

    cp_u = pltpu.async_copy(su_hbm.at[urow_v], ug_v, sem_u)
    cp_p = pltpu.async_copy(sp_hbm.at[prow_v], pg_v, sem_p)
    cp_u.wait()
    cp_p.wait()

    def blk(j, carry):
        rel = j * 16 + lax.iota(jnp.int32, 16)
        ucol = jnp.bitwise_and(uidx_v[pl.ds(j * 16, 16)], 15)
        pcol = jnp.bitwise_and(pidx_v[pl.ds(j * 16, 16)], 15)
        gu = plsc.load_gather(ug_v, [rel, ucol])
        gp = plsc.load_gather(pg_v, [rel, pcol])
        out_v[pl.ds(j * 16, 16)] = gu + gp + bias
        return carry

    lax.fori_loop(0, _NBLK, blk, 0)
    pltpu.sync_copy(out_v, out_hbm.at[pl.ds(base, _BPW)])


@jax.jit
def _run(users, product, user_table, product_table, W, b):
    n_users = user_table.shape[0]
    n_products = product_table.shape[0]
    wu2 = W[0, :_D].reshape(_D, 1)
    wp2 = W[0, _D:].reshape(_D, 1)
    su = _sweep(user_table.T, wu2, n_users)
    sp = _sweep(product_table.T, wp2, n_products)
    su2d = su.reshape(-1, 16)
    sp2d = sp.reshape(-1, 16)
    bb = jnp.broadcast_to(b.reshape(1), (16,))

    mesh = plsc.VectorSubcoreMesh(core_axis_name="c", subcore_axis_name="s")
    out = pl.kernel(
        _sc_body,
        mesh=mesh,
        out_type=jax.ShapeDtypeStruct((_BATCH,), jnp.float32),
        scratch_types=[
            pltpu.VMEM((_BPW,), jnp.int32),
            pltpu.VMEM((_BPW,), jnp.int32),
            pltpu.VMEM((_BPW,), jnp.int32),
            pltpu.VMEM((_BPW,), jnp.int32),
            pltpu.VMEM((_BPW, 16), jnp.float32),
            pltpu.VMEM((_BPW, 16), jnp.float32),
            pltpu.VMEM((16,), jnp.float32),
            pltpu.VMEM((_BPW,), jnp.float32),
            pltpu.SemaphoreType.DMA,
            pltpu.SemaphoreType.DMA,
        ],
        compiler_params=pltpu.CompilerParams(
            needs_layout_passes=False, use_tc_tiling_on_sc=False),
    )(users, product, su2d, sp2d, bb)
    return out.reshape(_BATCH, 1)


def kernel(users, product, user_table, product_table, W, b):
    return _run(users, product, user_table, product_table, W, b)

# --- scband reference (transcript-rebuilt; emitter-appended) ---
"""Pipeline reference for scband-rec-sys-model-5961414607431 (READ-ONLY COPY).

The authoritative reference and input builder live on the scoring server;
editing this copy changes nothing except your own understanding.
"""

import jax, jax.numpy as jnp
import numpy as np

N_USERS = 100000
N_PRODUCTS = 1000000
BATCH = 16384
EMBED_DIM = 32

def setup_inputs(seed: int = 0) -> dict:
    key = jax.random.key(seed)
    k1, k2, k3, k4, k5, k6 = jax.random.split(key, 6)
    users = jax.random.randint(k1, (BATCH,), 0, N_USERS, dtype=jnp.int64 if jax.config.jax_enable_x64 else jnp.int32)
    product = jax.random.randint(k2, (BATCH,), 0, N_PRODUCTS, dtype=jnp.int64 if jax.config.jax_enable_x64 else jnp.int32)
    user_table = jax.random.normal(k3, (N_USERS, EMBED_DIM), dtype=jnp.float32) * 0.02
    product_table = jax.random.normal(k4, (N_PRODUCTS, EMBED_DIM), dtype=jnp.float32) * 0.02
    W = jax.random.normal(k5, (1, 2 * EMBED_DIM), dtype=jnp.float32) * (1.0 / np.sqrt(2 * EMBED_DIM))
    b = jax.random.normal(k6, (1,), dtype=jnp.float32) * 0.01
    return {"users": users, "product": product, "user_table": user_table, "product_table": product_table, "W": W, "b": b}

def reference(users, product, user_table, product_table, W, b):
    user_embeds = jnp.take(user_table, users, axis=0)
    product_embeds = jnp.take(product_table, product, axis=0)
    output = jnp.concatenate([user_embeds, product_embeds], axis=1)
    output = output @ W.T + b
    return output

if __name__ == "__main__":
    import jax
    _d = setup_inputs()
    print(jax.jit(kernel)(*tuple(_d.values())))

</pallas_src>

<mosaic_0001>
#map = affine_map<(d0, d1) -> (0)>
#map1 = affine_map<(d0, d1) -> (0, 0)>
module attributes {stable_mosaic.version = 14 : i64} {
  func.func @_sc_body(%arg0: i32, %arg1: i32, %arg2: memref<16384xi32, #tpu.memory_space<hbm>>, %arg3: memref<16384xi32, #tpu.memory_space<hbm>>, %arg4: memref<6250x16xf32, #tpu.memory_space<hbm>>, %arg5: memref<62500x16xf32, #tpu.memory_space<hbm>>, %arg6: memref<16xf32, #tpu.memory_space<hbm>>, %arg7: memref<16384xf32, #tpu.memory_space<hbm>>, %arg8: memref<512xi32, #tpu.memory_space<vmem>>, %arg9: memref<512xi32, #tpu.memory_space<vmem>>, %arg10: memref<512xi32, #tpu.memory_space<vmem>>, %arg11: memref<512xi32, #tpu.memory_space<vmem>>, %arg12: memref<512x16xf32, #tpu.memory_space<vmem>>, %arg13: memref<512x16xf32, #tpu.memory_space<vmem>>, %arg14: memref<16xf32, #tpu.memory_space<vmem>>, %arg15: memref<512xf32, #tpu.memory_space<vmem>>, %arg16: memref<!tpu.dma_semaphore, #tpu.memory_space<semaphore_mem>>, %arg17: memref<!tpu.dma_semaphore, #tpu.memory_space<semaphore_mem>>) attributes {dimension_semantics = [#tpu.dimension_semantics<core_parallel>, #tpu.dimension_semantics<subcore_parallel>], iteration_bounds = array<i64: 2, 16>, scalar_prefetch = 0 : i64, scratch_operands = 10 : i64, tpu.core_type = #tpu.core_type<sc_vector_subcore>, window_params = [{transform_indices = #map}, {transform_indices = #map}, {transform_indices = #map1}, {transform_indices = #map1}, {transform_indices = #map}, {transform_indices = #map}]} {
    %mul3A = arith.constant 2 : i32
    %mul3A_0 = arith.muli %arg1, %mul3A : i32
    %add3A = arith.addi %mul3A_0, %arg0 : i32
    %mul3A_1 = arith.constant 512 : i32
    %mul3A_2 = arith.muli %add3A, %mul3A_1 : i32
    "tpu.region"() ({
      %run_scoped3A = tpu.sem_alloc : memref<!tpu.dma_semaphore, #tpu.memory_space<semaphore_mem>>
      %dma_start3A_25 = tpu.memref_slice %arg2[%mul3A_2] : memref<16384xi32, #tpu.memory_space<hbm>> -> memref<512xi32, #tpu.memory_space<hbm>>
      %dma_start3A_26 = tpu.memref_slice %arg2[%mul3A_2] : memref<16384xi32, #tpu.memory_space<hbm>> -> memref<512xi32, #tpu.memory_space<hbm>>
      tpu.enqueue_dma source(%dma_start3A_26 : memref<512xi32, #tpu.memory_space<hbm>>) target(%arg8 : memref<512xi32, #tpu.memory_space<vmem>>) target_semaphore(%run_scoped3A : memref<!tpu.dma_semaphore, #tpu.memory_space<semaphore_mem>>)
      %dma_wait3A_27 = tpu.memref_slice %arg2[%mul3A_2] : memref<16384xi32, #tpu.memory_space<hbm>> -> memref<512xi32, #tpu.memory_space<hbm>>
      %dma_wait3A_28 = tpu.memref_slice %arg2[%mul3A_2] : memref<16384xi32, #tpu.memory_space<hbm>> -> memref<512xi32, #tpu.memory_space<hbm>>
      tpu.wait_dma2 semaphore(%run_scoped3A : memref<!tpu.dma_semaphore, #tpu.memory_space<semaphore_mem>>) src(%dma_wait3A_28 : memref<512xi32, #tpu.memory_space<hbm>>) dst(%arg8 : memref<512xi32, #tpu.memory_space<vmem>>)
      tpu.yield
    }) : () -> ()
    "tpu.region"() ({
      %run_scoped3A = tpu.sem_alloc : memref<!tpu.dma_semaphore, #tpu.memory_space<semaphore_mem>>
      %dma_start3A_25 = tpu.memref_slice %arg3[%mul3A_2] : memref<16384xi32, #tpu.memory_space<hbm>> -> memref<512xi32, #tpu.memory_space<hbm>>
      %dma_start3A_26 = tpu.memref_slice %arg3[%mul3A_2] : memref<16384xi32, #tpu.memory_space<hbm>> -> memref<512xi32, #tpu.memory_space<hbm>>
      tpu.enqueue_dma source(%dma_start3A_26 : memref<512xi32, #tpu.memory_space<hbm>>) target(%arg9 : memref<512xi32, #tpu.memory_space<vmem>>) target_semaphore(%run_scoped3A : memref<!tpu.dma_semaphore, #tpu.memory_space<semaphore_mem>>)
      %dma_wait3A_27 = tpu.memref_slice %arg3[%mul3A_2] : memref<16384xi32, #tpu.memory_space<hbm>> -> memref<512xi32, #tpu.memory_space<hbm>>
      %dma_wait3A_28 = tpu.memref_slice %arg3[%mul3A_2] : memref<16384xi32, #tpu.memory_space<hbm>> -> memref<512xi32, #tpu.memory_space<hbm>>
      tpu.wait_dma2 semaphore(%run_scoped3A : memref<!tpu.dma_semaphore, #tpu.memory_space<semaphore_mem>>) src(%dma_wait3A_28 : memref<512xi32, #tpu.memory_space<hbm>>) dst(%arg9 : memref<512xi32, #tpu.memory_space<vmem>>)
      tpu.yield
    }) : () -> ()
    "tpu.region"() ({
      %run_scoped3A = tpu.sem_alloc : memref<!tpu.dma_semaphore, #tpu.memory_space<semaphore_mem>>
      tpu.enqueue_dma source(%arg6 : memref<16xf32, #tpu.memory_space<hbm>>) target(%arg14 : memref<16xf32, #tpu.memory_space<vmem>>) target_semaphore(%run_scoped3A : memref<!tpu.dma_semaphore, #tpu.memory_space<semaphore_mem>>)
      tpu.wait_dma2 semaphore(%run_scoped3A : memref<!tpu.dma_semaphore, #tpu.memory_space<semaphore_mem>>) src(%arg6 : memref<16xf32, #tpu.memory_space<hbm>>) dst(%arg14 : memref<16xf32, #tpu.memory_space<vmem>>)
      tpu.yield
    }) : () -> ()
    %get3A = arith.constant 0 : index
    %get3A_3 = tpu.vector_load %arg14[%get3A] {strides = array<i32>} : memref<16xf32, #tpu.memory_space<vmem>>, vector<16xf32>,
    %scan3A = arith.constant 0 : i32
    %scan3A_4 = arith.constant 0 : i32
    %scan3A_5 = arith.constant 32 : i32
    %scan3A_6 = arith.addi %scan3A_4, %scan3A_5 : i32
    %scan3A_7 = arith.constant 1 : i32
    scf.for %scan3A_25 = %scan3A_4 to %scan3A_6 step %scan3A_7  : i32 {
      %mul3A_26 = arith.constant 16 : i32
      %mul3A_27 = arith.muli %scan3A_25, %mul3A_26 : i32
      %get3A_28 = arith.index_cast %mul3A_27 : i32 to index
      %get3A_29 = tpu.vector_load %arg8[%get3A_28] {strides = array<i32>} : memref<512xi32, #tpu.memory_space<vmem>>, vector<16xi32>,
      %mul3A_30 = arith.constant 16 : i32
      %mul3A_31 = arith.muli %scan3A_25, %mul3A_30 : i32
      %get3A_32 = arith.index_cast %mul3A_31 : i32 to index
      %get3A_33 = tpu.vector_load %arg9[%get3A_32] {strides = array<i32>} : memref<512xi32, #tpu.memory_space<vmem>>, vector<16xi32>,
      %shift_right_logical3A = arith.constant 4 : i32
      %shift_right_logical3A_34 = vector.broadcast %shift_right_logical3A : i32 to vector<16xi32>
      %shift_right_logical3A_35 = arith.shrui %get3A_29, %shift_right_logical3A_34 : vector<16xi32>
      %mul3A_36 = arith.constant 16 : i32
      %mul3A_37 = arith.muli %scan3A_25, %mul3A_36 : i32
      %swap3A = arith.index_cast %mul3A_37 : i32 to index
      %swap3A_38 = tpu.vector_load %arg10[%swap3A] {strides = array<i32>} : memref<512xi32, #tpu.memory_space<vmem>>, vector<16xi32>,
      tpu.vector_store %arg10[%swap3A], %shift_right_logical3A_35 {strides = array<i32>} : memref<512xi32, #tpu.memory_space<vmem>>, vector<16xi32>,
      %shift_right_logical3A_39 = arith.constant 4 : i32
      %shift_right_logical3A_40 = vector.broadcast %shift_right_logical3A_39 : i32 to vector<16xi32>
      %shift_right_logical3A_41 = arith.shrui %get3A_33, %shift_right_logical3A_40 : vector<16xi32>
      %mul3A_42 = arith.constant 16 : i32
      %mul3A_43 = arith.muli %scan3A_25, %mul3A_42 : i32
      %swap3A_44 = arith.index_cast %mul3A_43 : i32 to index
      %swap3A_45 = tpu.vector_load %arg11[%swap3A_44] {strides = array<i32>} : memref<512xi32, #tpu.memory_space<vmem>>, vector<16xi32>,
      tpu.vector_store %arg11[%swap3A_44], %shift_right_logical3A_41 {strides = array<i32>} : memref<512xi32, #tpu.memory_space<vmem>>, vector<16xi32>,
    }
    %scan3A_8 = arith.constant 32 : i32
    %dma_start3A = arith.constant 0 : i32
    %dma_start3A_9 = arith.constant 0 : i32
    %dma_start3A_10 = tpu.memref_slice %arg4[%dma_start3A, %dma_start3A_9] : memref<6250x16xf32, #tpu.memory_space<hbm>> -> memref<6250x16xf32, #tpu.memory_space<hbm>>
    tpu.enqueue_indirect_dma source(%dma_start3A_10 : memref<6250x16xf32, #tpu.memory_space<hbm>>) target(%arg12 : memref<512x16xf32, #tpu.memory_space<vmem>>) offsets(%arg10 : memref<512xi32, #tpu.memory_space<vmem>>) semaphore(%arg16 : memref<!tpu.dma_semaphore, #tpu.memory_space<semaphore_mem>>)
    %dma_start3A_11 = arith.constant 0 : i32
    %dma_start3A_12 = arith.constant 0 : i32
    %dma_start3A_13 = tpu.memref_slice %arg5[%dma_start3A_11, %dma_start3A_12] : memref<62500x16xf32, #tpu.memory_space<hbm>> -> memref<62500x16xf32, #tpu.memory_space<hbm>>
    tpu.enqueue_indirect_dma source(%dma_start3A_13 : memref<62500x16xf32, #tpu.memory_space<hbm>>) target(%arg13 : memref<512x16xf32, #tpu.memory_space<vmem>>) offsets(%arg11 : memref<512xi32, #tpu.memory_space<vmem>>) semaphore(%arg17 : memref<!tpu.dma_semaphore, #tpu.memory_space<semaphore_mem>>)
    %dma_wait3A = arith.constant 0 : i32
    %dma_wait3A_14 = arith.constant 0 : i32
    %dma_wait3A_15 = tpu.memref_slice %arg4[%dma_wait3A, %dma_wait3A_14] : memref<6250x16xf32, #tpu.memory_space<hbm>> -> memref<6250x16xf32, #tpu.memory_space<hbm>>
    tpu.wait_indirect_dma semaphore(%arg16 : memref<!tpu.dma_semaphore, #tpu.memory_space<semaphore_mem>>) src(%dma_wait3A_15 : memref<6250x16xf32, #tpu.memory_space<hbm>>) dst(%arg12 : memref<512x16xf32, #tpu.memory_space<vmem>>)
    %dma_wait3A_16 = arith.constant 0 : i32
    %dma_wait3A_17 = arith.constant 0 : i32
    %dma_wait3A_18 = tpu.memref_slice %arg5[%dma_wait3A_16, %dma_wait3A_17] : memref<62500x16xf32, #tpu.memory_space<hbm>> -> memref<62500x16xf32, #tpu.memory_space<hbm>>
    tpu.wait_indirect_dma semaphore(%arg17 : memref<!tpu.dma_semaphore, #tpu.memory_space<semaphore_mem>>) src(%dma_wait3A_18 : memref<62500x16xf32, #tpu.memory_space<hbm>>) dst(%arg13 : memref<512x16xf32, #tpu.memory_space<vmem>>)
    %scan3A_19 = arith.constant 0 : i32
    %scan3A_20 = arith.constant 0 : i32
    %scan3A_21 = arith.constant 32 : i32
    %scan3A_22 = arith.addi %scan3A_20, %scan3A_21 : i32
    %scan3A_23 = arith.constant 1 : i32
    scf.for %scan3A_25 = %scan3A_20 to %scan3A_22 step %scan3A_23  : i32 {
      %mul3A_26 = arith.constant 16 : i32
      %mul3A_27 = arith.muli %scan3A_25, %mul3A_26 : i32
      %iota3A = tpu.iota {dimensions = array<i32: 0>} : vector<16xi32>
      %add3A_28 = vector.broadcast %mul3A_27 : i32 to vector<16xi32>
      %add3A_29 = arith.addi %add3A_28, %iota3A : vector<16xi32>
      %mul3A_30 = arith.constant 16 : i32
      %mul3A_31 = arith.muli %scan3A_25, %mul3A_30 : i32
      %get3A_32 = arith.index_cast %mul3A_31 : i32 to index
      %get3A_33 = tpu.vector_load %arg8[%get3A_32] {strides = array<i32>} : memref<512xi32, #tpu.memory_space<vmem>>, vector<16xi32>,
      %and3A = arith.constant 15 : i32
      %and3A_34 = vector.broadcast %and3A : i32 to vector<16xi32>
      %and3A_35 = arith.andi %get3A_33, %and3A_34 : vector<16xi32>
      %mul3A_36 = arith.constant 16 : i32
      %mul3A_37 = arith.muli %scan3A_25, %mul3A_36 : i32
      %get3A_38 = arith.index_cast %mul3A_37 : i32 to index
      %get3A_39 = tpu.vector_load %arg9[%get3A_38] {strides = array<i32>} : memref<512xi32, #tpu.memory_space<vmem>>, vector<16xi32>,
      %and3A_40 = arith.constant 15 : i32
      %and3A_41 = vector.broadcast %and3A_40 : i32 to vector<16xi32>
      %and3A_42 = arith.andi %get3A_39, %and3A_41 : vector<16xi32>
      %gather3A = tpu.vector_load_idx %arg12[%add3A_29, %and3A_35] : memref<512x16xf32, #tpu.memory_space<vmem>>[vector<16xi32>, vector<16xi32>], vector<16xf32>,
      %gather3A_43 = tpu.vector_load_idx %arg13[%add3A_29, %and3A_42] : memref<512x16xf32, #tpu.memory_space<vmem>>[vector<16xi32>, vector<16xi32>], vector<16xf32>,
      %add3A_44 = arith.addf %gather3A, %gather3A_43 : vector<16xf32>
      %add3A_45 = arith.addf %add3A_44, %get3A_3 : vector<16xf32>
      %mul3A_46 = arith.constant 16 : i32
      %mul3A_47 = arith.muli %scan3A_25, %mul3A_46 : i32
      %swap3A = arith.index_cast %mul3A_47 : i32 to index
      %swap3A_48 = tpu.vector_load %arg15[%swap3A] {strides = array<i32>} : memref<512xf32, #tpu.memory_space<vmem>>, vector<16xf32>,
      tpu.vector_store %arg15[%swap3A], %add3A_45 {strides = array<i32>} : memref<512xf32, #tpu.memory_space<vmem>>, vector<16xf32>,
    }
    %scan3A_24 = arith.constant 32 : i32
    "tpu.region"() ({
      %run_scoped3A = tpu.sem_alloc : memref<!tpu.dma_semaphore, #tpu.memory_space<semaphore_mem>>
      %dma_start3A_25 = tpu.memref_slice %arg7[%mul3A_2] : memref<16384xf32, #tpu.memory_space<hbm>> -> memref<512xf32, #tpu.memory_space<hbm>>
      %dma_start3A_26 = tpu.memref_slice %arg7[%mul3A_2] : memref<16384xf32, #tpu.memory_space<hbm>> -> memref<512xf32, #tpu.memory_space<hbm>>
      tpu.enqueue_dma source(%arg15 : memref<512xf32, #tpu.memory_space<vmem>>) target(%dma_start3A_26 : memref<512xf32, #tpu.memory_space<hbm>>) target_semaphore(%run_scoped3A : memref<!tpu.dma_semaphore, #tpu.memory_space<semaphore_mem>>)
      %dma_wait3A_27 = tpu.memref_slice %arg7[%mul3A_2] : memref<16384xf32, #tpu.memory_space<hbm>> -> memref<512xf32, #tpu.memory_space<hbm>>
      %dma_wait3A_28 = tpu.memref_slice %arg7[%mul3A_2] : memref<16384xf32, #tpu.memory_space<hbm>> -> memref<512xf32, #tpu.memory_space<hbm>>
      tpu.wait_dma2 semaphore(%run_scoped3A : memref<!tpu.dma_semaphore, #tpu.memory_space<semaphore_mem>>) src(%arg15 : memref<512xf32, #tpu.memory_space<vmem>>) dst(%dma_wait3A_28 : memref<512xf32, #tpu.memory_space<hbm>>)
      tpu.yield
    }) : () -> ()
    return
  }
}

module attributes {stable_mosaic.version = 14 : i64} {
  func.func @_sweep_body(%arg0: i32, %arg1: memref<32x1xf32, #tpu.memory_space<vmem>>, %arg2: memref<32x32768xf32, #tpu.memory_space<vmem>>, %arg3: memref<32768xf32, #tpu.memory_space<vmem>>) attributes {dimension_semantics = [#tpu.dimension_semantics<arbitrary>], iteration_bounds = array<i64: 31>, scalar_prefetch = 0 : i64, scratch_operands = 0 : i64, tpu.core_type = #tpu.core_type<tc>, window_params = [{pipeline_mode = #tpu.pipeline_mode<synchronous>, transform_indices = @transform_0, window_bounds = array<i64: 32, 1>}, {transform_indices = @transform_1, window_bounds = array<i64: 32, 32768>}, {transform_indices = @transform_2, window_bounds = array<i64: 32768>}]} {
    %get3A = arith.constant 0 : index
    %get3A_0 = arith.constant 0 : index
    %get3A_1 = vector.load %arg2[%get3A, %get3A_0] : memref<32x32768xf32, #tpu.memory_space<vmem>>, vector<32x32768xf32>
    %get3A_2 = arith.constant 0 : index
    %get3A_3 = arith.constant 0 : index
    %get3A_4 = vector.load %arg1[%get3A_2, %get3A_3] : memref<32x1xf32, #tpu.memory_space<vmem>>, vector<32x1xf32>
    %mul3A = vector.broadcast %get3A_4 : vector<32x1xf32> to vector<32x32768xf32>
    %mul3A_5 = arith.mulf %get3A_1, %mul3A : vector<32x32768xf32>
    %reduce_sum3A = arith.constant dense<0.000000e+00> : vector<32768xf32>
    %reduce_sum3A_6 = vector.multi_reduction <add>, %mul3A_5, %reduce_sum3A [0] : vector<32x32768xf32> to vector<32768xf32>
    %swap3A = arith.constant 0 : index
    %swap3A_7 = vector.load %arg3[%swap3A] : memref<32768xf32, #tpu.memory_space<vmem>>, vector<32768xf32>
    tpu.vector_store %arg3[%swap3A], %reduce_sum3A_6 {strides = array<i32>} : memref<32768xf32, #tpu.memory_space<vmem>>, vector<32768xf32>,
    return
  }
  func.func @transform_0(%arg0: i32) -> (i32, i32) {
    %c0_i32 = arith.constant 0 : i32
    %c0_i32_0 = arith.constant 0 : i32
    %c0_i32_1 = arith.constant 0 : i32
    return %c0_i32, %c0_i32_0 : i32, i32
  }
  func.func @transform_1(%arg0: i32) -> (i32, i32) {
    %c0_i32 = arith.constant 0 : i32
    %c0_i32_0 = arith.constant 0 : i32
    return %c0_i32, %arg0 : i32, i32
  }
  func.func @transform_2(%arg0: i32) -> i32 {
    %c0_i32 = arith.constant 0 : i32
    return %arg0 : i32
  }
}

module attributes {stable_mosaic.version = 14 : i64} {
  func.func @_sweep_body(%arg0: i32, %arg1: memref<32x1xf32, #tpu.memory_space<vmem>>, %arg2: memref<32x32768xf32, #tpu.memory_space<vmem>>, %arg3: memref<32768xf32, #tpu.memory_space<vmem>>) attributes {dimension_semantics = [#tpu.dimension_semantics<arbitrary>], iteration_bounds = array<i64: 4>, scalar_prefetch = 0 : i64, scratch_operands = 0 : i64, tpu.core_type = #tpu.core_type<tc>, window_params = [{pipeline_mode = #tpu.pipeline_mode<synchronous>, transform_indices = @transform_0, window_bounds = array<i64: 32, 1>}, {transform_indices = @transform_1, window_bounds = array<i64: 32, 32768>}, {transform_indices = @transform_2, window_bounds = array<i64: 32768>}]} {
    %get3A = arith.constant 0 : index
    %get3A_0 = arith.constant 0 : index
    %get3A_1 = vector.load %arg2[%get3A, %get3A_0] : memref<32x32768xf32, #tpu.memory_space<vmem>>, vector<32x32768xf32>
    %get3A_2 = arith.constant 0 : index
    %get3A_3 = arith.constant 0 : index
    %get3A_4 = vector.load %arg1[%get3A_2, %get3A_3] : memref<32x1xf32, #tpu.memory_space<vmem>>, vector<32x1xf32>
    %mul3A = vector.broadcast %get3A_4 : vector<32x1xf32> to vector<32x32768xf32>
    %mul3A_5 = arith.mulf %get3A_1, %mul3A : vector<32x32768xf32>
    %reduce_sum3A = arith.constant dense<0.000000e+00> : vector<32768xf32>
    %reduce_sum3A_6 = vector.multi_reduction <add>, %mul3A_5, %reduce_sum3A [0] : vector<32x32768xf32> to vector<32768xf32>
    %swap3A = arith.constant 0 : index
    %swap3A_7 = vector.load %arg3[%swap3A] : memref<32768xf32, #tpu.memory_space<vmem>>, vector<32768xf32>
    tpu.vector_store %arg3[%swap3A], %reduce_sum3A_6 {strides = array<i32>} : memref<32768xf32, #tpu.memory_space<vmem>>, vector<32768xf32>,
    return
  }
  func.func @transform_0(%arg0: i32) -> (i32, i32) {
    %c0_i32 = arith.constant 0 : i32
    %c0_i32_0 = arith.constant 0 : i32
    %c0_i32_1 = arith.constant 0 : i32
    return %c0_i32, %c0_i32_0 : i32, i32
  }
  func.func @transform_1(%arg0: i32) -> (i32, i32) {
    %c0_i32 = arith.constant 0 : i32
    %c0_i32_0 = arith.constant 0 : i32
    return %c0_i32, %arg0 : i32, i32
  }
  func.func @transform_2(%arg0: i32) -> i32 {
    %c0_i32 = arith.constant 0 : i32
    return %arg0 : i32
  }
}

</mosaic_0001>

<sc_bundles>
// kernel: _run.5.cloned.1.call-start
scs
__scs_entry_jumppad:
0x0: {  	(pc) =	sbr.rel $0x88, $3  }
0x1: {  	(tag) =	ssettag $0x0;
	lr =	simm.s32 $0x1  }
0x2: {  	[smem:$0x3F9B] =	sst lr;
	_ =	strace $0xD0000000  }
0x3: {  	_ = 	snop  }
0x4: {  	_ = 	snop  }
0x5: {  	_ = 	snop  }
0x6: {  	_ = 	snop  }
0x7: {  	_ = 	snop  }
__scs_overlays_trampoline_lowered:
0x8: {  	[smem:$0x3FAA] =	sst s0  }
0x9: {  	[smem:$0x3FAB] =	sst s1  }
0xa: {  	[smem:$0x3FAC] =	sst s2  }
0xb: {  	[smem:$0x3FAD] =	sst s3  }
0xc: {  	[smem:$0x3FAE] =	sst s4  }
0xd: {  	[smem:$0x3FAF] =	sst s5  }
0xe: {  	[smem:$0x3FB0] =	sst s6  }
0xf: {  	[smem:$0x3FB1] =	sst s7  }
0x10: {  	[smem:$0x3FB2] =	sst s8  }
0x11: {  	[smem:$0x3FB3] =	sst s9;
	s0 =	simm.s32 @!p0 $0x0  }
0x12: {  	s1 =	sld [smem:$0x3F99];
	s0 =	simm.s32 @p0 $0x1  }
0x13: {  	[smem:$0x3FB4] =	sst s0;
	s0 =	simm.s32 @!p1 $0x0  }
0x14: {  	s2 =	sld [smem:$0x3F98];
	s0 =	simm.s32 @p1 $0x1  }
0x15: {  	[smem:$0x3FB5] =	sst s0;
	s0 =	simm.s32 @!p2 $0x0  }
0x16: {  	s3 =	sld [smem:$0x3FDB];
	s0 =	simm.s32 @p2 $0x1  }
0x17: {  	s4 =	simm.s32 $0x1BF5;
	[smem:$0x3FB7] =	sst s0  }
0x18: {  	s0 =	sld [smem:$0x3F9A];
	_ =	swait.ge [sflag:s4], $0x0  }
0x19: {  	s7 =	sld [smem:$0x3F9B]  }
0x1a: {  	s8 =	sadd.s32 $0xFFFFE003, lr  }
0x1b: {  	s9 =	sadd.s32 $0xFFFFFEF7, lr;
	s5 =	simm.s32 $0xFFFFFFFF;
	p2 =	slt.u32 s8, $0xFFFFF086  }
0x1c: {  	p1 =	slt.u32 s9, $0xF7A;
	s5 =	simm.s32 @!p2 $0x0  }
0x1d: {  	s5 =	simm.s32 @p1 $0x1;
	p0 =	seq.s32 s7, s2  }
0x1e: {  	s7 =	smul.u32 @!p0 $0xF7A, s2;
	p2 =	seq.s32 @!p0 s5, $0x0  }
0x1f: {  	s9 =	smul.u32 $0xF7A, s1;
	s8 =	simm.s32 @!p0 $0x1BF5;
	p2 =	por !p2, p0  }
0x20: {  	[sflag:s8] =	ssyncset.s32 @!p0 $0xFFFFF086;
	s6 =	sadd.s32 @!p0 s3, s7;
	s7 =	simm.s32 @!p0 $0x108  }
0x21: {  	s3 =	sadd.s32 s3, s9;
	s6 =	sadd.s32 @!p0 $0x88, s6;
	s7 =	simm.s32 @p2 $0x1082  }
0x22: {  	[simem:s7], [sflag:s8] =	dma.local @!p0 [hbm:s6], $0xF7A  }
0x23: {  	s9 =	sor.u32 $0xD0000000, s2;
	s6 =	simm.s32 $0x108;
	_ =	swait.ge @!p0 [sflag:s8], $0x0  }
0x24: {  	s3 =	sadd.s32 $0x88, s3;
	s6 =	simm.s32 @!p1 $0x1082;
	[sflag:s4] =	ssyncset.s32 $0xFFFFF086  }
0x25: {  	[simem:s6], [sflag:s4] =	dma.local [hbm:s3], $0xF7A  }
0x26: {  	[smem:$0x3F9B] =	sst s1;
	(tag) =	ssettag s2;
	_ =	strace s9  }
0x27: {  	s1 =	sld [smem:$0x3FAB]  }
0x28: {  	s2 =	sld [smem:$0x3FAC]  }
0x29: {  	s4 =	sld [smem:$0x3FAE]  }
0x2a: {  	p0 =	seq.s32 s5, $0x0;
	s5 =	sld [smem:$0x3FAF]  }
0x2b: {  	s6 =	sld [smem:$0x3FB0]  }
0x2c: {  	s7 =	sld [smem:$0x3FB1]  }
0x2d: {  	s3 =	simm.s32 $0x108;
	s8 =	sld [smem:$0x3FB2]  }
0x2e: {  	s3 =	simm.s32 @!p0 $0x1082;
	s9 =	sld [smem:$0x3FB3]  }
0x2f: {  	lr =	sadd.s32 s0, s3;
	s0 =	sld [smem:$0x3FAA]  }
0x30: {  	s3 =	sld [smem:$0x3FAD]  }
0x31: {  	[smem:$0x3FB6] =	sst s10  }
0x32: {  	s10 =	sld [smem:$0x3FB4];
	_ =	sdelay $0x3  }
0x33: {  	p0 =	seq.s32 s10, $0x1;
	s10 =	sld [smem:$0x3FB6];
	_ =	sdelay $0x3  }
0x34: {  	[smem:$0x3FB6] =	sst s10  }
0x35: {  	s10 =	sld [smem:$0x3FB5];
	_ =	sdelay $0x3  }
0x36: {  	p1 =	seq.s32 s10, $0x1;
	s10 =	sld [smem:$0x3FB6];
	_ =	sdelay $0x3  }
0x37: {  	[smem:$0x3FB6] =	sst s10  }
0x38: {  	s10 =	sld [smem:$0x3FB7]  }
0x39: {  	_ = 	snop;
	(pc) =	sbr.ind lr, $3  }
0x3a: {  	_ = 	snop  }
0x3b: {  	_ = 	snop  }
0x3c: {  	p2 =	seq.s32 s10, $0x1;
	s10 =	sld [smem:$0x3FB6]  }
0x3d: {  	_ =	shalt  }
0x3e: {  	_ =	shalt  }
0x3f: {  	_ =	shalt  }
0x40: {  	_ =	shalt  }
0x41: {  	_ =	shalt  }
0x42: {  	_ =	shalt  }
0x43: {  	_ =	shalt  }
0x44: {  	_ =	shalt  }
0x45: {  	_ =	shalt  }
0x46: {  	_ =	shalt  }
0x47: {  	_ =	shalt  }
0x48: {  	_ =	shalt  }
0x49: {  	_ =	shalt  }
0x4a: {  	_ =	shalt  }
0x4b: {  	_ =	shalt  }
0x4c: {  	_ =	shalt  }
0x4d: {  	_ =	shalt  }
0x4e: {  	_ =	shalt  }
0x4f: {  	_ =	shalt  }
0x50: {  	_ =	shalt  }
0x51: {  	_ =	shalt  }
0x52: {  	_ =	shalt  }
0x53: {  	_ =	shalt  }
0x54: {  	_ =	shalt  }
0x55: {  	_ =	shalt  }
0x56: {  	_ =	shalt  }
0x57: {  	_ =	shalt  }
0x58: {  	_ =	shalt  }
0x59: {  	_ =	shalt  }
0x5a: {  	_ =	shalt  }
0x5b: {  	_ =	shalt  }
0x5c: {  	_ =	shalt  }
0x5d: {  	_ =	shalt  }
0x5e: {  	_ =	shalt  }
0x5f: {  	_ =	shalt  }
0x60: {  	_ =	shalt  }
0x61: {  	_ =	shalt  }
0x62: {  	_ =	shalt  }
0x63: {  	_ =	shalt  }
0x64: {  	_ =	shalt  }
0x65: {  	_ =	shalt  }
0x66: {  	_ =	shalt  }
0x67: {  	_ =	shalt  }
0x68: {  	_ =	shalt  }
0x69: {  	_ =	shalt  }
0x6a: {  	_ =	shalt  }
0x6b: {  	_ =	shalt  }
0x6c: {  	_ =	shalt  }
0x6d: {  	_ =	shalt  }
0x6e: {  	_ =	shalt  }
0x6f: {  	_ =	shalt  }
0x70: {  	_ =	shalt  }
0x71: {  	_ =	shalt  }
0x72: {  	_ =	shalt  }
0x73: {  	_ =	shalt  }
0x74: {  	_ =	shalt  }
0x75: {  	_ =	shalt  }
0x76: {  	_ =	shalt  }
0x77: {  	_ =	shalt  }
0x78: {  	_ =	shalt  }
0x79: {  	_ =	shalt  }
0x7a: {  	_ =	shalt  }
0x7b: {  	_ =	shalt  }
0x7c: {  	_ =	shalt  }
0x7d: {  	_ =	shalt  }
0x7e: {  	_ =	shalt  }
0x7f: {  	_ =	shalt  }
0x80: {  	_ =	shalt  }
0x81: {  	_ =	shalt  }
0x82: {  	_ =	shalt  }
0x83: {  	_ =	shalt  }
0x84: {  	_ =	shalt  }
0x85: {  	_ =	shalt  }
0x86: {  	_ =	shalt  }
0x87: {  	_ =	shalt  }
.Lfunc_end0:
.L_simem_size_0:
called_computation_lowered:
.L_overlay_start_0:
0x88: {  	s2 =	sld [smem:$0x3FD9]  }
0x89: {  	s3 =	sld [smem:$0x3FFE];
	_ =	sdelay $0x1  }
0x8a: {  	s1 =	srdreg.scid  }
0x8b: {  	s0 =	sand.u32 $0x1, s1  }
0x8c: {  	s17 =	sshll.u32 s0, $0xA;
	s2 =	sadd.s32 s3, s2  }
0x8d: {  	s2 =	sadd.s32 s2, s17  }
0x8e: {  	[smem:$0x3FC2] =	sst s2  }
0x8f: {  	_ = 	snop  }
0x90: {  	s2 =	sld [smem:$0x3FC9]  }
0x91: {  	s18 =	sld [smem:$0x3FC8]  }
0x92: {  	s4 =	sld [smem:$0x3FD0];
	(tm) =	ssettm $0x1  }
0x93: {  	s5 =	sld [smem:$0x3FFB];
	_ =	sdelay $0x3  }
0x94: {  	_ =	strace s5  }
0x95: {  	s5 =	sld [smem:$0x3FFC];
	_ =	sdelay $0x3  }
0x96: {  	_ =	strace s5  }
0x97: {  	s5 =	sld [smem:$0x3FFD];
	_ =	sdelay $0x3  }
0x98: {  	_ =	strace s5  }
0x99: {  	_ =	strace $0x8FFFFFFF  }
0x9a: {  	s19 =	sld [smem:$0x3FDB];
	_ =	sdelay $0x1  }
0x9b: {  	s6 =	simm.s32 $_scs_section_size  }
0x9c: {  	s7 =	simm.s32 $_size__tile_overlayer_lowered;
	s8 =	simm.s32 $_tile_overlayer_lowered  }
0x9d: {  	s22 =	simm.s32 $0x1BFF;
	s21 =	sshll.u32 s8, $0x1;
	s5 =	sadd.s32 s6, s19  }
0x9e: {  	s9 =	simm.s32 $0x0;
	s20 =	sshll.u32 s7, $0x1;
	s7 =	sadd.s32 s21, s5  }
0x9f: {  	[timem:s9], [sflag:s22] =	dma.local [hbm:s7], s20  }
0xa0: {  	_ =	swait.ge [sflag:s22], s20  }
0xa1: {  	s6 =	ssub.s32 $0x0, s20;
	[sflag:s22] =	ssyncset.done $0x0  }
0xa2: {  	[sflag:s22] =	ssyncadd.s32 s6;
	_ =	sdelay $0x1  }
0xa3: {  	s23 =	simm.s32 $0x1B8B  }
0xa4: {  	_ =	swait.ge [sflag:s23], $0x1  }
0xa5: {  	[sflag:s23] =	ssyncset.done $0x0  }
0xa6: {  	s25 =	simm.s32 $0x1B8E;
	s24 =	sld [smem:$0x3FFE];
	[sflag:s23] =	ssyncadd.s32 $0xFFFFFFFF  }
0xa7: {  	s26 =	simm.s32 $execute0_lowered;
	[smem:$0x3FD2] =	sst s25  }
0xa8: {  	s7 =	sshll.u32 s26, $0x1;
	_ =	strace $0x80000046;
	[dreg:$0x1] =	wrdreg $0xFFFFFFFF  }
0xa9: {  	s28 =	simm.s32 $_size_execute0_lowered;
	s5 =	sadd.s32 s5, s7;
	[dreg:$0x0] =	wrdreg $0x0  }
0xaa: {  	s7 =	sshll.u32 s28, $0x1;
	[dreg:$0x2] =	wrdreg s5  }
0xab: {  	[dreg:$0x3] =	wrdreg s7  }
0xac: {  	[dreg:$0x4] =	wrdreg $0xC0  }
0xad: {  	_ =	task [dreg:s9], $0x5FFFF  }
0xae: {  	[dreg:$0x1] =	wrdreg $0xFFFFFFFF  }
0xaf: {  	[dreg:$0x0] =	wrdreg $0x60  }
0xb0: {  	[dreg:$0x2] =	wrdreg s2  }
0xb1: {  	[dreg:$0x3] =	wrdreg s18  }
0xb2: {  	[dreg:$0x4] =	wrdreg s24  }
0xb3: {  	[dreg:$0x5] =	wrdreg s4  }
0xb4: {  	[dreg:$0x6] =	wrdreg $0x9  }
0xb5: {  	_ =	task.clear_ibuf [dreg:s9], $0x7FFFF;
	_ =	strace $0x90000046  }
0xb6: {  	s29 =	simm.s32 $0x9;
	_ =	strace $0x80000048  }
0xb7: {  	_ =	swait.ge [sflag:s29], $0x1  }
0xb8: {  	[sflag:s29] =	ssyncadd.s32 $0xFFFFFFFF  }
0xb9: {  	_ =	strace $0x90000048  }
0xba: {  	_ =	sfence  }
0xbb: {  	s30 =	sld [smem:$0x0];
	_ =	sdelay $0x2  }
0xbc: {  	s31 =	sshll.u32 s1, $0xD;
	s1 =	sshrl.u32 s1, $0x2  }
0xbd: {  	s3 =	sand.u32 $0x4000, s31;
	s1 =	sadd.s32 s1, s30  }
0xbe: {  	s0 =	sor.u32 s3, s0;
	s1 =	sshll.u32 s1, $0x11  }
0xbf: {  	s0 =	sor.u32 s1, s0  }
0xc0: {  	s0 =	sadd.s32 $0x8F2B, s0  }
0xc1: {  	[sflag:s0] =	ssyncadd.remote.s32 $0x1  }
0xc2: {  	_ =	sfence.sel $0xFFFF  }
0xc3: {  	[dreg:$0x0] =	wrdreg $0xFFFFFFFF;
	(pc) =	sbr.abs _section_cstart, $3  }
0xc4: {  	[dreg:$0x1] =	wrdreg $0xFFFFFFFF  }
0xc5: {  	_ =	task.clear_ibuf [dreg:s9], $0x2FFFF;
	_ =	strace $0x9FFFFFFF  }
0xc6: {  	(tm) =	ssettm $0x7FFFFFFF  }
0xc7: {  	_ =	shalt  }
tec
execute0_lowered:
.L_overlay_start_1:
0x0: {  	(tag) =	ssettag $0x1  }
0x1: {  	s6 =	rddreg [dreg:$0x0]  }
0x2: {  	s7 =	rddreg [dreg:$0x1]  }
0x3: {  	s5 =	rddreg [dreg:$0x2]  }
0x4: {  	s8 =	rddreg [dreg:$0x3]  }
0x5: {  	s0 =	rddreg [dreg:$0x4]  }
0x6: {  	s1 =	simm.s32 $0x0;
	s2 =	srdreg.scid;
	s13 =	simm.s32 $0x400  }
0x7: {  	s14 =	simm.s32 $0x800;
	s15 =	simm.s32 $0x600;
	s16 =	simm.s32 $0x2800  }
0x8: {  	s17 =	simm.s32 $0x1;
	s18 =	simm.s32 $0x2;
	s19 =	simm.s32 $0x4810  }
0x9: {  	s20 =	simm.s32 $0x0;
	[smem:$0x7FF] =	sst s1;
	s3 =	sadd.s32 $0xC00, s5  }
0xa: {  	s9 =	sand.u32 $0x1, s2;
	s4 =	sadd.s32 $0x3E00, s5;
	s2 =	stileid.u32  }
0xb: {  	s5 =	sadd.s32 $0x22800, s5;
	_ =	strace $0x80000047;
	s10 =	ssub.s32 $0x2, s9  }
0xc: {  	s12 =	sshll.u32 s2, $0x7;
	s9 =	sshll.u32 s9, $0x6;
	s11 =	sshrl.u32 s10, $0x1  }
0xd: {  	s9 =	sor.u32 s9, s12;
	s12 =	simm.s32 $0x4800;
	s10 =	ssub.s32 s10, s11  }
0xe: {  	v0 =	vlaneseq.u32;
	s6 =	sadd.s32 s6, s9;
	s7 =	sadd.s32 s7, s9;
	s8 =	sadd.s32 s8, s9  }
0xf: {  	v0 =	vmul.u32 $0x10, v0;
	s11 =	simm.s32 $0x200;
	s9 =	smax.u32 s10, $0x1;
	s10 =	simm.s32 $0x3  }
.LBB2_1:
0x10: {  	[tilespmem:s1], [sflag:$0x3] =	stream.linear.gather [hbm4b:s6+s1], $0x200, $0x38;
	[tilespmem:$0x4A10] =	vst v63  }
0x11: {  	_ =	swait.ge [sflag:s10], $0x200  }
0x12: {  	[sflag:s10] =	ssyncset.done $0x0  }
0x13: {  	[sflag:s10] =	ssyncadd.s32 $0xFFFFFE00  }
0x14: {  	[tilespmem:s11], [sflag:$0x3] =	stream.linear.gather [hbm4b:s7+s1], $0x200, $0x38;
	[tilespmem:$0x4A10] =	vst v63  }
0x15: {  	_ =	swait.ge [sflag:s10], $0x200  }
0x16: {  	[sflag:s10] =	ssyncset.done $0x0  }
0x17: {  	[sflag:s10] =	ssyncadd.s32 $0xFFFFFE00  }
0x18: {  	[tilespmem:s12], [sflag:$0x3] =	stream.linear.gather [hbm4b:s5+s1], $0x10, $0x38;
	[tilespmem:$0x4A10] =	vst v63  }
0x19: {  	_ =	swait.ge [sflag:s10], $0x10  }
0x1a: {  	[sflag:s10] =	ssyncset.done $0x0  }
0x1b: {  	[sflag:s10] =	ssyncadd.s32 $0xFFFFFFF0  }
0x1c: {  	s21 =	simm.s32 $0x0;
	v1 =	vld [tilespmem:$0x4800]  }
0x1d: {  	v2 =	vld [tilespmem:s21+$0x200]  }
0x1e: {  	s22 =	simm.s32 $0x40;
	v3 =	vld [tilespmem:s21+$0x0]  }
.LBB2_2:
0x1f: {  	p0 =	sne.s32 s22, $0x7C0  }
.Ltmp0:
0x20: {  	_ = 	snop;
	(pc) =	sbr.rel @p0 .LBB2_2-.Ltmp0, $4  }
0x21: {  	_ = 	snop  }
0x22: {  	s23 =	sshra.s32 s22, $0x2;
	s22 =	sadd.s32 $0x40, s22;
	v4 =	vshrl.u32 v2, $0x4  }
0x23: {  	v2 =	vld [tilespmem:s23+$0x200];
	v5 =	vshrl.u32 v3, $0x4;
	[tilespmem:s21+$0x600] =	vst v4  }
0x24: {  	v3 =	vld [tilespmem:s23+$0x0];
	[tilespmem:s21+$0x400] =	vst v5;
	s21 =	smov.u32 s23  }
0x25: {  	_ =	sdelay $0x2  }
0x26: {  	v2 =	vshrl.u32 v2, $0x4  }
0x27: {  	v3 =	vshrl.u32 v3, $0x4;
	[tilespmem:s21+$0x600] =	vst v2  }
0x28: {  	s31 =	simm.s32 $0x200;
	[tilespmem:s21+$0x400] =	vst v3  }
0x29: {  	[tilespmem:s14], [sflag:$0x1] =	stream.indirect.gather [hbm4b:s3+s31], $0x10, s13, s31, $0xb8;
	[tilespmem:$0x4A10] =	vst v63  }
0x2a: {  	_ = 	snop  }
0x2b: {  	[tilespmem:s16], [sflag:$0x2] =	stream.indirect.gather [hbm4b:s4+s31], $0x10, s15, s31, $0xb8;
	[tilespmem:$0x4A10] =	vst v63  }
0x2c: {  	_ =	swait.ge [sflag:s17], $0x2000  }
0x2d: {  	[sflag:s17] =	ssyncset.done $0x0  }
0x2e: {  	[sflag:s17] =	ssyncadd.s32 $0xFFFFE000  }
0x2f: {  	_ =	swait.ge [sflag:s18], $0x2000  }
0x30: {  	[sflag:s18] =	ssyncset.done $0x0  }
0x31: {  	s22 =	simm.s32 $0x0;
	[sflag:s18] =	ssyncadd.s32 $0xFFFFE000  }
0x32: {  	v2 =	vld [tilespmem:s22+$0x0]  }
0x33: {  	v3 =	vld [tilespmem:s31+$0x0];
	_ =	sdelay $0x1  }
0x34: {  	v4 =	vmov s22  }
0x35: {  	v4 =	vshll.u32 v4, $0x4  }
0x36: {  	v4 =	vor.u32 v0, v4;
	v2 =	vand.u32 $0xF, v2  }
0x37: {  	v3 =	vand.u32 $0xF, v3;
	v2 =	vor.u32 v4, v2  }
0x38: {  	v3 =	vor.u32 v4, v3;
	_ =	sdelay $0x3  }
0x39: {  	v2 =	vld.idx.msk [tilespmem:v2+s14+$0x0], $0xffff  }
0x3a: {  	v3 =	vld.idx.msk [tilespmem:v3+s16+$0x0], $0xffff;
	_ =	sdelay $0x4  }
0x3b: {  	v2 =	vadd.f32 v3, v2;
	_ =	sdelay $0x1  }
0x3c: {  	v2 =	vadd.f32 v2, v1  }
0x3d: {  	s21 =	simm.s32 $0x4810  }
0x3e: {  	s22 =	simm.s32 $0x10;
	[tilespmem:s21+$0x0] =	vst v2  }
0x3f: {  	s23 =	simm.s32 $0x210;
	v2 =	vld [tilespmem:s22+$0x0]  }
0x40: {  	s24 =	simm.s32 $0x20;
	s25 =	simm.s32 $0x10;
	v3 =	vld [tilespmem:s23+$0x0]  }
.LBB2_4:
0x41: {  	p0 =	sne.s32 s24, $0x1F0  }
0x42: {  	v4 =	vmov s22;
	s22 =	smov.u32 s24  }
0x43: {  	v4 =	vshll.u32 v4, $0x4  }
0x44: {  	v4 =	vor.u32 v0, v4;
	v2 =	vand.u32 $0xF, v2  }
0x45: {  	v2 =	vor.u32 v4, v2;
	v3 =	vand.u32 $0xF, v3  }
0x46: {  	v3 =	vor.u32 v4, v3;
	_ =	sdelay $0x3  }
0x47: {  	v2 =	vld.idx.msk [tilespmem:v2+s14+$0x0], $0xffff  }
0x48: {  	v3 =	vld.idx.msk [tilespmem:v3+s16+$0x0], $0xffff;
	_ =	sdelay $0x5  }
0x49: {  	v2 =	vadd.f32 v3, v2;
	_ =	sdelay $0x1  }
.Ltmp1:
0x4a: {  	v2 =	vadd.f32 v2, v1;
	(pc) =	sbr.rel @p0 .LBB2_4-.Ltmp1, $4  }
0x4b: {  	s21 =	sadd.s32 $0x10, s21  }
0x4c: {  	s25 =	sadd.s32 $0x10, s25;
	[tilespmem:s21+$0x0] =	vst v2  }
0x4d: {  	s23 =	sadd.s32 $0x10, s23;
	v2 =	vld [tilespmem:s25+$0x0]  }
0x4e: {  	s24 =	sadd.s32 $0x10, s24;
	v3 =	vld [tilespmem:s23+$0x0]  }
0x4f: {  	_ = 	snop  }
0x50: {  	v4 =	vmov s22  }
0x51: {  	v4 =	vshll.u32 v4, $0x4  }
0x52: {  	v4 =	vor.u32 v0, v4;
	v2 =	vand.u32 $0xF, v2  }
0x53: {  	v2 =	vor.u32 v4, v2;
	v3 =	vand.u32 $0xF, v3  }
0x54: {  	v3 =	vor.u32 v4, v3;
	_ =	sdelay $0x3  }
0x55: {  	v2 =	vld.idx.msk [tilespmem:v2+s14+$0x0], $0xffff  }
0x56: {  	v3 =	vld.idx.msk [tilespmem:v3+s16+$0x0], $0xffff;
	_ =	sdelay $0x4  }
0x57: {  	v2 =	vadd.f32 v3, v2;
	_ =	sdelay $0x1  }
0x58: {  	s20 =	sadd.s32 $0x1, s20;
	v1 =	vadd.f32 v2, v1  }
0x59: {  	s21 =	sadd.s32 $0x10, s21;
	p0 =	sne.s32 s20, s9  }
.Ltmp2:
0x5a: {  	[tilespmem:s21+$0x0] =	vst v1;
	(pc) =	sbr.rel @p0 .LBB2_1-.Ltmp2, $4  }
0x5b: {  	[hbm4b:s8+s1] =	stream.linear.scatter [tilespmem:s19], [sflag:$0x3], $0x200, $0x38;
	[tilespmem:$0x4A10] =	vst v63  }
0x5c: {  	_ =	swait.ge [sflag:s10], $0x200  }
0x5d: {  	[sflag:s10] =	ssyncset.done $0x0  }
0x5e: {  	[sflag:s10] =	ssyncadd.s32 $0xFFFFFE00  }
0x5f: {  	_ =	sfence.sel $0x180000  }
0x60: {  	[bflag:$0x0] =	sbarrier.arrive $0xFFFF  }
0x61: {  	p0 =	sne.s32 s2, $0x0;
	_ =	strace $0x90000047  }
0x62: {  	s0 =	sadd.s32 @!p0 $0x100000, s0;
	[bflag:$0x2] =	sbarrier.arrive $0xFFFF  }
0x63: {  	[sflag:s0] =	ssyncadd.tile.s32 @!p0 $0x1;
	_ =	shalt  }
.Lfunc_end2:
_tile_overlayer_lowered:
.L_overlay_start_2:
0x64: {  	(tag) =	ssettag $0x2  }
0x65: {  	s0 =	rddreg [dreg:$0x0];
	s2 =	stileid.u32  }
0x66: {  	s1 =	rddreg [dreg:$0x1];
	p0 =	sne.s32 s2, $0x0  }
0x67: {  	s3 =	rddreg [dreg:$0x2];
	[bflag:$0x3] =	sbarrier.arrive $0xFFFF;
	s2 =	simm.s32 @!p0 $0x1C03  }
0x68: {  	[timem:s3], [sflag:s2] =	dma.local @!p0 [hbm:s0], s1  }
0x69: {  	s0 =	simm.s32 @!p0 $0x3  }
0x6a: {  	_ =	swait.ge @!p0 [sflag:s0], s1  }
0x6b: {  	s1 =	ssub.s32 @!p0 $0x0, s1;
	[sflag:s0] =	ssyncset.done @!p0 $0x0  }
0x6c: {  	[sflag:s0] =	ssyncadd.s32 @!p0 s1  }
0x6d: {  	[bflag:$0x3] =	sbarrier.arrive $0xFFFF  }
0x6e: {  	_ =	shalt  }

</sc_bundles>
